<compile_context>
chip_gen: v7x
topology: tpu7x:2x2x1
jax: 0.10.2.dev20260603
libtpu: 0.0.44.dev20260713+nightly
codegen_flags: <defaults>
</compile_context>

<pallas_src>
import functools

import jax
import jax.numpy as jnp
from jax import lax
from jax.experimental import pallas as pl
from jax.experimental.pallas import tpu as pltpu
from jax.experimental.pallas import tpu_sc as plsc

_DIM = 32
_MBLK = 65536



def _row_mean_body(x_ref, o_ref):
    o_ref[...] = jnp.sum(x_ref[...], axis=0) * (1.0 / _DIM)


def _row_means(table_t):
    rows = table_t.shape[1]
    grid = (rows + _MBLK - 1) // _MBLK
    return pl.pallas_call(
        _row_mean_body,
        grid=(grid,),
        in_specs=[pl.BlockSpec((_DIM, _MBLK), lambda i: (0, i))],
        out_specs=pl.BlockSpec((_MBLK,), lambda i: (i,)),
        out_shape=jax.ShapeDtypeStruct((grid * _MBLK,), jnp.float32),
    )(table_t)



def _gather_means(means, idx_a, idx_p, idx_n):
    info = plsc.get_sparse_core_info()
    nw = info.num_cores * info.num_subcores
    na, nn = idx_a.shape[0], idx_n.shape[0]
    apw, npw = na // nw, nn // nw
    tpw = 2 * apw + npw
    mesh = plsc.VectorSubcoreMesh(core_axis_name="c", subcore_axis_name="s")

    @functools.partial(
        pl.kernel, mesh=mesh,
        out_type=[jax.ShapeDtypeStruct((na,), jnp.float32),
                  jax.ShapeDtypeStruct((na,), jnp.float32),
                  jax.ShapeDtypeStruct((nn,), jnp.float32)],
        scratch_types=[
            pltpu.VMEM((tpw,), jnp.int32),
            pltpu.VMEM((tpw,), jnp.float32),
            pltpu.SemaphoreType.DMA,
        ],
    )
    def gather_kernel(means_hbm, a_hbm, p_hbm, n_hbm,
                      oa_hbm, op_hbm, on_hbm, idx_v, vals_v, sem):
        wid = lax.axis_index("s") * info.num_cores + lax.axis_index("c")
        ab, nb = wid * apw, wid * npw
        pltpu.sync_copy(a_hbm.at[pl.ds(ab, apw)], idx_v.at[pl.ds(0, apw)])
        pltpu.sync_copy(p_hbm.at[pl.ds(ab, apw)],
                        idx_v.at[pl.ds(apw, apw)])
        pltpu.sync_copy(n_hbm.at[pl.ds(nb, npw)],
                        idx_v.at[pl.ds(2 * apw, npw)])
        pltpu.async_copy(means_hbm.at[idx_v], vals_v, sem).wait()
        pltpu.sync_copy(vals_v.at[pl.ds(0, apw)], oa_hbm.at[pl.ds(ab, apw)])
        pltpu.sync_copy(vals_v.at[pl.ds(apw, apw)],
                        op_hbm.at[pl.ds(ab, apw)])
        pltpu.sync_copy(vals_v.at[pl.ds(2 * apw, npw)],
                        on_hbm.at[pl.ds(nb, npw)])

    return gather_kernel(means, idx_a, idx_p, idx_n)



def _norm_body(a_ref, p_ref, n_ref, oa_ref, op_ref, on_ref):
    for x_ref, o_ref in ((a_ref, oa_ref), (p_ref, op_ref), (n_ref, on_ref)):
        x = x_ref[...]
        ss = jnp.sum(x * x, axis=0, keepdims=True)
        o_ref[...] = x / jnp.sqrt(ss)


def _normalize(va, vp, vn):
    seq = va.shape[0]
    ca, cn = va.shape[2], vn.shape[2]
    grid = 8
    ba, bn = ca // grid, cn // grid
    spec_a = pl.BlockSpec((seq, 1, ba), lambda i: (0, 0, i))
    spec_n = pl.BlockSpec((seq, 1, bn), lambda i: (0, 0, i))
    return pl.pallas_call(
        _norm_body,
        grid=(grid,),
        in_specs=[spec_a, spec_a, spec_n],
        out_specs=[spec_a, spec_a, spec_n],
        out_shape=[jax.ShapeDtypeStruct((seq, 1, ca), jnp.float32),
                   jax.ShapeDtypeStruct((seq, 1, ca), jnp.float32),
                   jax.ShapeDtypeStruct((seq, 1, cn), jnp.float32)],
    )(va, vp, vn)



def kernel(anchor_input_ids, positive_input_ids, negative_input_ids,
           embedding_table):
    batch, seq = anchor_input_ids.shape
    num_neg = negative_input_ids.shape[1]
    na = batch * seq

    means = _row_means(embedding_table.T)
    nt = negative_input_ids.transpose(2, 1, 0)
    nt = nt.reshape(seq, num_neg, batch // 128, 128).transpose(0, 2, 1, 3)
    fa, fp, fn = _gather_means(means,
                               anchor_input_ids.T.reshape(-1),
                               positive_input_ids.T.reshape(-1),
                               nt.reshape(-1))

    va = fa.reshape(seq, 1, batch)
    vp = fp.reshape(seq, 1, batch)
    vn = fn.reshape(seq, 1, num_neg * batch)
    oa, op_, on = _normalize(va, vp, vn)

    anchor = oa.transpose(2, 0, 1)
    positive = op_.transpose(2, 0, 1)
    negative = (on.reshape(seq, batch // 128, num_neg, 128)
                .transpose(1, 3, 2, 0).reshape(batch, num_neg, seq))
    return (anchor, positive, negative)

# --- scband reference (transcript-rebuilt; emitter-appended) ---
"""Pipeline reference for scband-triplet-model-22737556865498 (READ-ONLY COPY).

The authoritative reference and input builder live on the scoring server;
editing this copy changes nothing except your own understanding.
"""

import jax, jax.numpy as jnp
import numpy as np

NUM_EMBEDDINGS = 1000000
EMBEDDING_DIM = 32
BATCH = 4096
SEQ = 50
NUM_NEG = 4


def setup_inputs(seed: int = 0) -> dict:
    key = jax.random.key(seed)
    k1, k2, k3, k4 = jax.random.split(key, 4)
    anchor_input_ids = jax.random.randint(k1, (BATCH, SEQ), 0, NUM_EMBEDDINGS, dtype=jnp.int64 if jax.config.jax_enable_x64 else jnp.int32)
    positive_input_ids = jax.random.randint(k2, (BATCH, SEQ), 0, NUM_EMBEDDINGS, dtype=jnp.int64 if jax.config.jax_enable_x64 else jnp.int32)
    negative_input_ids = jax.random.randint(k3, (BATCH, NUM_NEG, SEQ), 0, NUM_EMBEDDINGS, dtype=jnp.int64 if jax.config.jax_enable_x64 else jnp.int32)
    embedding_table = jax.random.normal(k4, (NUM_EMBEDDINGS, EMBEDDING_DIM), dtype=jnp.float32)
    return {
        "anchor_input_ids": anchor_input_ids,
        "positive_input_ids": positive_input_ids,
        "negative_input_ids": negative_input_ids,
        "embedding_table": embedding_table,
    }


def _embed(table, input_ids):
    # nn.Embedding lookup -> [B, L, D]
    emb = jnp.take(table, input_ids, axis=0)
    # AdaptiveAvgPool1d(1) pools over the LAST dim (D) -> [B, L, 1]
    pooled = jnp.mean(emb, axis=-1, keepdims=True)
    # torch .squeeze(1) only removes dim 1 if its size is 1; here L=50, so it is a no-op
    if pooled.shape[1] == 1:
        pooled = jnp.squeeze(pooled, axis=1)
    # L2 normalize over dim=1
    norm = jnp.linalg.norm(pooled, axis=1, keepdims=True)
    return pooled / norm


def reference(anchor_input_ids, positive_input_ids, negative_input_ids, embedding_table):
    anchor_embeddings = _embed(embedding_table, anchor_input_ids)
    positive_embeddings = _embed(embedding_table, positive_input_ids)
    B, N, L = negative_input_ids.shape
    neg_flat = _embed(embedding_table, negative_input_ids.reshape(-1, L))
    negative_embeddings = neg_flat.reshape(B, N, -1)
    return (anchor_embeddings, positive_embeddings, negative_embeddings)

if __name__ == "__main__":
    import jax
    _d = setup_inputs()
    print(jax.jit(kernel)(*tuple(_d.values())))

</pallas_src>

<mosaic_0001>
#map = affine_map<(d0, d1) -> (0)>
module attributes {stable_mosaic.version = 14 : i64} {
  func.func @gather_kernel(%arg0: i32, %arg1: i32, %arg2: memref<1048576xf32, #tpu.memory_space<hbm>>, %arg3: memref<204800xi32, #tpu.memory_space<hbm>>, %arg4: memref<204800xi32, #tpu.memory_space<hbm>>, %arg5: memref<819200xi32, #tpu.memory_space<hbm>>, %arg6: memref<204800xf32, #tpu.memory_space<hbm>>, %arg7: memref<204800xf32, #tpu.memory_space<hbm>>, %arg8: memref<819200xf32, #tpu.memory_space<hbm>>, %arg9: memref<38400xi32, #tpu.memory_space<vmem>>, %arg10: memref<38400xf32, #tpu.memory_space<vmem>>, %arg11: memref<!tpu.dma_semaphore, #tpu.memory_space<semaphore_mem>>) attributes {dimension_semantics = [#tpu.dimension_semantics<core_parallel>, #tpu.dimension_semantics<subcore_parallel>], iteration_bounds = array<i64: 2, 16>, scalar_prefetch = 0 : i64, scratch_operands = 3 : i64, tpu.core_type = #tpu.core_type<sc_vector_subcore>, window_params = [{transform_indices = #map}, {transform_indices = #map}, {transform_indices = #map}, {transform_indices = #map}, {transform_indices = #map}, {transform_indices = #map}, {transform_indices = #map}]} {
    %mul3A = arith.constant 2 : i32
    %mul3A_0 = arith.muli %arg1, %mul3A : i32
    %add3A = arith.addi %mul3A_0, %arg0 : i32
    %mul3A_1 = arith.constant 6400 : i32
    %mul3A_2 = arith.muli %add3A, %mul3A_1 : i32
    %mul3A_3 = arith.constant 25600 : i32
    %mul3A_4 = arith.muli %add3A, %mul3A_3 : i32
    "tpu.region"() ({
      %run_scoped3A = tpu.sem_alloc : memref<!tpu.dma_semaphore, #tpu.memory_space<semaphore_mem>>
      %dma_start3A_7 = arith.constant 0 : i32
      %dma_start3A_8 = tpu.memref_slice %arg9[%dma_start3A_7] : memref<38400xi32, #tpu.memory_space<vmem>> -> memref<6400xi32, #tpu.memory_space<vmem>>
      %dma_start3A_9 = tpu.memref_slice %arg3[%mul3A_2] : memref<204800xi32, #tpu.memory_space<hbm>> -> memref<6400xi32, #tpu.memory_space<hbm>>
      %dma_start3A_10 = arith.constant 0 : i32
      %dma_start3A_11 = tpu.memref_slice %arg9[%dma_start3A_10] : memref<38400xi32, #tpu.memory_space<vmem>> -> memref<6400xi32, #tpu.memory_space<vmem>>
      %dma_start3A_12 = tpu.memref_slice %arg3[%mul3A_2] : memref<204800xi32, #tpu.memory_space<hbm>> -> memref<6400xi32, #tpu.memory_space<hbm>>
      tpu.enqueue_dma source(%dma_start3A_12 : memref<6400xi32, #tpu.memory_space<hbm>>) target(%dma_start3A_11 : memref<6400xi32, #tpu.memory_space<vmem>>) target_semaphore(%run_scoped3A : memref<!tpu.dma_semaphore, #tpu.memory_space<semaphore_mem>>)
      %dma_wait3A_13 = arith.constant 0 : i32
      %dma_wait3A_14 = tpu.memref_slice %arg9[%dma_wait3A_13] : memref<38400xi32, #tpu.memory_space<vmem>> -> memref<6400xi32, #tpu.memory_space<vmem>>
      %dma_wait3A_15 = tpu.memref_slice %arg3[%mul3A_2] : memref<204800xi32, #tpu.memory_space<hbm>> -> memref<6400xi32, #tpu.memory_space<hbm>>
      %dma_wait3A_16 = arith.constant 0 : i32
      %dma_wait3A_17 = tpu.memref_slice %arg9[%dma_wait3A_16] : memref<38400xi32, #tpu.memory_space<vmem>> -> memref<6400xi32, #tpu.memory_space<vmem>>
      %dma_wait3A_18 = tpu.memref_slice %arg3[%mul3A_2] : memref<204800xi32, #tpu.memory_space<hbm>> -> memref<6400xi32, #tpu.memory_space<hbm>>
      tpu.wait_dma2 semaphore(%run_scoped3A : memref<!tpu.dma_semaphore, #tpu.memory_space<semaphore_mem>>) src(%dma_wait3A_18 : memref<6400xi32, #tpu.memory_space<hbm>>) dst(%dma_wait3A_17 : memref<6400xi32, #tpu.memory_space<vmem>>)
      tpu.yield
    }) : () -> ()
    "tpu.region"() ({
      %run_scoped3A = tpu.sem_alloc : memref<!tpu.dma_semaphore, #tpu.memory_space<semaphore_mem>>
      %dma_start3A_7 = arith.constant 6400 : i32
      %dma_start3A_8 = tpu.memref_slice %arg9[%dma_start3A_7] : memref<38400xi32, #tpu.memory_space<vmem>> -> memref<6400xi32, #tpu.memory_space<vmem>>
      %dma_start3A_9 = tpu.memref_slice %arg4[%mul3A_2] : memref<204800xi32, #tpu.memory_space<hbm>> -> memref<6400xi32, #tpu.memory_space<hbm>>
      %dma_start3A_10 = arith.constant 6400 : i32
      %dma_start3A_11 = tpu.memref_slice %arg9[%dma_start3A_10] : memref<38400xi32, #tpu.memory_space<vmem>> -> memref<6400xi32, #tpu.memory_space<vmem>>
      %dma_start3A_12 = tpu.memref_slice %arg4[%mul3A_2] : memref<204800xi32, #tpu.memory_space<hbm>> -> memref<6400xi32, #tpu.memory_space<hbm>>
      tpu.enqueue_dma source(%dma_start3A_12 : memref<6400xi32, #tpu.memory_space<hbm>>) target(%dma_start3A_11 : memref<6400xi32, #tpu.memory_space<vmem>>) target_semaphore(%run_scoped3A : memref<!tpu.dma_semaphore, #tpu.memory_space<semaphore_mem>>)
      %dma_wait3A_13 = arith.constant 6400 : i32
      %dma_wait3A_14 = tpu.memref_slice %arg9[%dma_wait3A_13] : memref<38400xi32, #tpu.memory_space<vmem>> -> memref<6400xi32, #tpu.memory_space<vmem>>
      %dma_wait3A_15 = tpu.memref_slice %arg4[%mul3A_2] : memref<204800xi32, #tpu.memory_space<hbm>> -> memref<6400xi32, #tpu.memory_space<hbm>>
      %dma_wait3A_16 = arith.constant 6400 : i32
      %dma_wait3A_17 = tpu.memref_slice %arg9[%dma_wait3A_16] : memref<38400xi32, #tpu.memory_space<vmem>> -> memref<6400xi32, #tpu.memory_space<vmem>>
      %dma_wait3A_18 = tpu.memref_slice %arg4[%mul3A_2] : memref<204800xi32, #tpu.memory_space<hbm>> -> memref<6400xi32, #tpu.memory_space<hbm>>
      tpu.wait_dma2 semaphore(%run_scoped3A : memref<!tpu.dma_semaphore, #tpu.memory_space<semaphore_mem>>) src(%dma_wait3A_18 : memref<6400xi32, #tpu.memory_space<hbm>>) dst(%dma_wait3A_17 : memref<6400xi32, #tpu.memory_space<vmem>>)
      tpu.yield
    }) : () -> ()
    "tpu.region"() ({
      %run_scoped3A = tpu.sem_alloc : memref<!tpu.dma_semaphore, #tpu.memory_space<semaphore_mem>>
      %dma_start3A_7 = arith.constant 12800 : i32
      %dma_start3A_8 = tpu.memref_slice %arg9[%dma_start3A_7] : memref<38400xi32, #tpu.memory_space<vmem>> -> memref<25600xi32, #tpu.memory_space<vmem>>
      %dma_start3A_9 = tpu.memref_slice %arg5[%mul3A_4] : memref<819200xi32, #tpu.memory_space<hbm>> -> memref<25600xi32, #tpu.memory_space<hbm>>
      %dma_start3A_10 = arith.constant 12800 : i32
      %dma_start3A_11 = tpu.memref_slice %arg9[%dma_start3A_10] : memref<38400xi32, #tpu.memory_space<vmem>> -> memref<25600xi32, #tpu.memory_space<vmem>>
      %dma_start3A_12 = tpu.memref_slice %arg5[%mul3A_4] : memref<819200xi32, #tpu.memory_space<hbm>> -> memref<25600xi32, #tpu.memory_space<hbm>>
      tpu.enqueue_dma source(%dma_start3A_12 : memref<25600xi32, #tpu.memory_space<hbm>>) target(%dma_start3A_11 : memref<25600xi32, #tpu.memory_space<vmem>>) target_semaphore(%run_scoped3A : memref<!tpu.dma_semaphore, #tpu.memory_space<semaphore_mem>>)
      %dma_wait3A_13 = arith.constant 12800 : i32
      %dma_wait3A_14 = tpu.memref_slice %arg9[%dma_wait3A_13] : memref<38400xi32, #tpu.memory_space<vmem>> -> memref<25600xi32, #tpu.memory_space<vmem>>
      %dma_wait3A_15 = tpu.memref_slice %arg5[%mul3A_4] : memref<819200xi32, #tpu.memory_space<hbm>> -> memref<25600xi32, #tpu.memory_space<hbm>>
      %dma_wait3A_16 = arith.constant 12800 : i32
      %dma_wait3A_17 = tpu.memref_slice %arg9[%dma_wait3A_16] : memref<38400xi32, #tpu.memory_space<vmem>> -> memref<25600xi32, #tpu.memory_space<vmem>>
      %dma_wait3A_18 = tpu.memref_slice %arg5[%mul3A_4] : memref<819200xi32, #tpu.memory_space<hbm>> -> memref<25600xi32, #tpu.memory_space<hbm>>
      tpu.wait_dma2 semaphore(%run_scoped3A : memref<!tpu.dma_semaphore, #tpu.memory_space<semaphore_mem>>) src(%dma_wait3A_18 : memref<25600xi32, #tpu.memory_space<hbm>>) dst(%dma_wait3A_17 : memref<25600xi32, #tpu.memory_space<vmem>>)
      tpu.yield
    }) : () -> ()
    %dma_start3A = arith.constant 0 : i32
    %dma_start3A_5 = tpu.memref_slice %arg2[%dma_start3A] : memref<1048576xf32, #tpu.memory_space<hbm>> -> memref<1048576xf32, #tpu.memory_space<hbm>>
    tpu.enqueue_indirect_dma source(%dma_start3A_5 : memref<1048576xf32, #tpu.memory_space<hbm>>) target(%arg10 : memref<38400xf32, #tpu.memory_space<vmem>>) offsets(%arg9 : memref<38400xi32, #tpu.memory_space<vmem>>) semaphore(%arg11 : memref<!tpu.dma_semaphore, #tpu.memory_space<semaphore_mem>>)
    %dma_wait3A = arith.constant 0 : i32
    %dma_wait3A_6 = tpu.memref_slice %arg2[%dma_wait3A] : memref<1048576xf32, #tpu.memory_space<hbm>> -> memref<1048576xf32, #tpu.memory_space<hbm>>
    tpu.wait_indirect_dma semaphore(%arg11 : memref<!tpu.dma_semaphore, #tpu.memory_space<semaphore_mem>>) src(%dma_wait3A_6 : memref<1048576xf32, #tpu.memory_space<hbm>>) dst(%arg10 : memref<38400xf32, #tpu.memory_space<vmem>>)
    "tpu.region"() ({
      %run_scoped3A = tpu.sem_alloc : memref<!tpu.dma_semaphore, #tpu.memory_space<semaphore_mem>>
      %dma_start3A_7 = arith.constant 0 : i32
      %dma_start3A_8 = tpu.memref_slice %arg10[%dma_start3A_7] : memref<38400xf32, #tpu.memory_space<vmem>> -> memref<6400xf32, #tpu.memory_space<vmem>>
      %dma_start3A_9 = tpu.memref_slice %arg6[%mul3A_2] : memref<204800xf32, #tpu.memory_space<hbm>> -> memref<6400xf32, #tpu.memory_space<hbm>>
      %dma_start3A_10 = tpu.memref_slice %arg6[%mul3A_2] : memref<204800xf32, #tpu.memory_space<hbm>> -> memref<6400xf32, #tpu.memory_space<hbm>>
      %dma_start3A_11 = arith.constant 0 : i32
      %dma_start3A_12 = tpu.memref_slice %arg10[%dma_start3A_11] : memref<38400xf32, #tpu.memory_space<vmem>> -> memref<6400xf32, #tpu.memory_space<vmem>>
      tpu.enqueue_dma source(%dma_start3A_12 : memref<6400xf32, #tpu.memory_space<vmem>>) target(%dma_start3A_10 : memref<6400xf32, #tpu.memory_space<hbm>>) target_semaphore(%run_scoped3A : memref<!tpu.dma_semaphore, #tpu.memory_space<semaphore_mem>>)
      %dma_wait3A_13 = arith.constant 0 : i32
      %dma_wait3A_14 = tpu.memref_slice %arg10[%dma_wait3A_13] : memref<38400xf32, #tpu.memory_space<vmem>> -> memref<6400xf32, #tpu.memory_space<vmem>>
      %dma_wait3A_15 = tpu.memref_slice %arg6[%mul3A_2] : memref<204800xf32, #tpu.memory_space<hbm>> -> memref<6400xf32, #tpu.memory_space<hbm>>
      %dma_wait3A_16 = tpu.memref_slice %arg6[%mul3A_2] : memref<204800xf32, #tpu.memory_space<hbm>> -> memref<6400xf32, #tpu.memory_space<hbm>>
      %dma_wait3A_17 = arith.constant 0 : i32
      %dma_wait3A_18 = tpu.memref_slice %arg10[%dma_wait3A_17] : memref<38400xf32, #tpu.memory_space<vmem>> -> memref<6400xf32, #tpu.memory_space<vmem>>
      tpu.wait_dma2 semaphore(%run_scoped3A : memref<!tpu.dma_semaphore, #tpu.memory_space<semaphore_mem>>) src(%dma_wait3A_18 : memref<6400xf32, #tpu.memory_space<vmem>>) dst(%dma_wait3A_16 : memref<6400xf32, #tpu.memory_space<hbm>>)
      tpu.yield
    }) : () -> ()
    "tpu.region"() ({
      %run_scoped3A = tpu.sem_alloc : memref<!tpu.dma_semaphore, #tpu.memory_space<semaphore_mem>>
      %dma_start3A_7 = arith.constant 6400 : i32
      %dma_start3A_8 = tpu.memref_slice %arg10[%dma_start3A_7] : memref<38400xf32, #tpu.memory_space<vmem>> -> memref<6400xf32, #tpu.memory_space<vmem>>
      %dma_start3A_9 = tpu.memref_slice %arg7[%mul3A_2] : memref<204800xf32, #tpu.memory_space<hbm>> -> memref<6400xf32, #tpu.memory_space<hbm>>
      %dma_start3A_10 = tpu.memref_slice %arg7[%mul3A_2] : memref<204800xf32, #tpu.memory_space<hbm>> -> memref<6400xf32, #tpu.memory_space<hbm>>
      %dma_start3A_11 = arith.constant 6400 : i32
      %dma_start3A_12 = tpu.memref_slice %arg10[%dma_start3A_11] : memref<38400xf32, #tpu.memory_space<vmem>> -> memref<6400xf32, #tpu.memory_space<vmem>>
      tpu.enqueue_dma source(%dma_start3A_12 : memref<6400xf32, #tpu.memory_space<vmem>>) target(%dma_start3A_10 : memref<6400xf32, #tpu.memory_space<hbm>>) target_semaphore(%run_scoped3A : memref<!tpu.dma_semaphore, #tpu.memory_space<semaphore_mem>>)
      %dma_wait3A_13 = arith.constant 6400 : i32
      %dma_wait3A_14 = tpu.memref_slice %arg10[%dma_wait3A_13] : memref<38400xf32, #tpu.memory_space<vmem>> -> memref<6400xf32, #tpu.memory_space<vmem>>
      %dma_wait3A_15 = tpu.memref_slice %arg7[%mul3A_2] : memref<204800xf32, #tpu.memory_space<hbm>> -> memref<6400xf32, #tpu.memory_space<hbm>>
      %dma_wait3A_16 = tpu.memref_slice %arg7[%mul3A_2] : memref<204800xf32, #tpu.memory_space<hbm>> -> memref<6400xf32, #tpu.memory_space<hbm>>
      %dma_wait3A_17 = arith.constant 6400 : i32
      %dma_wait3A_18 = tpu.memref_slice %arg10[%dma_wait3A_17] : memref<38400xf32, #tpu.memory_space<vmem>> -> memref<6400xf32, #tpu.memory_space<vmem>>
      tpu.wait_dma2 semaphore(%run_scoped3A : memref<!tpu.dma_semaphore, #tpu.memory_space<semaphore_mem>>) src(%dma_wait3A_18 : memref<6400xf32, #tpu.memory_space<vmem>>) dst(%dma_wait3A_16 : memref<6400xf32, #tpu.memory_space<hbm>>)
      tpu.yield
    }) : () -> ()
    "tpu.region"() ({
      %run_scoped3A = tpu.sem_alloc : memref<!tpu.dma_semaphore, #tpu.memory_space<semaphore_mem>>
      %dma_start3A_7 = arith.constant 12800 : i32
      %dma_start3A_8 = tpu.memref_slice %arg10[%dma_start3A_7] : memref<38400xf32, #tpu.memory_space<vmem>> -> memref<25600xf32, #tpu.memory_space<vmem>>
      %dma_start3A_9 = tpu.memref_slice %arg8[%mul3A_4] : memref<819200xf32, #tpu.memory_space<hbm>> -> memref<25600xf32, #tpu.memory_space<hbm>>
      %dma_start3A_10 = tpu.memref_slice %arg8[%mul3A_4] : memref<819200xf32, #tpu.memory_space<hbm>> -> memref<25600xf32, #tpu.memory_space<hbm>>
      %dma_start3A_11 = arith.constant 12800 : i32
      %dma_start3A_12 = tpu.memref_slice %arg10[%dma_start3A_11] : memref<38400xf32, #tpu.memory_space<vmem>> -> memref<25600xf32, #tpu.memory_space<vmem>>
      tpu.enqueue_dma source(%dma_start3A_12 : memref<25600xf32, #tpu.memory_space<vmem>>) target(%dma_start3A_10 : memref<25600xf32, #tpu.memory_space<hbm>>) target_semaphore(%run_scoped3A : memref<!tpu.dma_semaphore, #tpu.memory_space<semaphore_mem>>)
      %dma_wait3A_13 = arith.constant 12800 : i32
      %dma_wait3A_14 = tpu.memref_slice %arg10[%dma_wait3A_13] : memref<38400xf32, #tpu.memory_space<vmem>> -> memref<25600xf32, #tpu.memory_space<vmem>>
      %dma_wait3A_15 = tpu.memref_slice %arg8[%mul3A_4] : memref<819200xf32, #tpu.memory_space<hbm>> -> memref<25600xf32, #tpu.memory_space<hbm>>
      %dma_wait3A_16 = tpu.memref_slice %arg8[%mul3A_4] : memref<819200xf32, #tpu.memory_space<hbm>> -> memref<25600xf32, #tpu.memory_space<hbm>>
      %dma_wait3A_17 = arith.constant 12800 : i32
      %dma_wait3A_18 = tpu.memref_slice %arg10[%dma_wait3A_17] : memref<38400xf32, #tpu.memory_space<vmem>> -> memref<25600xf32, #tpu.memory_space<vmem>>
      tpu.wait_dma2 semaphore(%run_scoped3A : memref<!tpu.dma_semaphore, #tpu.memory_space<semaphore_mem>>) src(%dma_wait3A_18 : memref<25600xf32, #tpu.memory_space<vmem>>) dst(%dma_wait3A_16 : memref<25600xf32, #tpu.memory_space<hbm>>)
      tpu.yield
    }) : () -> ()
    return
  }
}

module attributes {stable_mosaic.version = 14 : i64} {
  func.func @_norm_body(%arg0: i32, %arg1: memref<50x1x512xf32, #tpu.memory_space<vmem>>, %arg2: memref<50x1x512xf32, #tpu.memory_space<vmem>>, %arg3: memref<50x1x2048xf32, #tpu.memory_space<vmem>>, %arg4: memref<50x1x512xf32, #tpu.memory_space<vmem>>, %arg5: memref<50x1x512xf32, #tpu.memory_space<vmem>>, %arg6: memref<50x1x2048xf32, #tpu.memory_space<vmem>>) attributes {dimension_semantics = [#tpu.dimension_semantics<arbitrary>], iteration_bounds = array<i64: 8>, scalar_prefetch = 0 : i64, scratch_operands = 0 : i64, tpu.core_type = #tpu.core_type<tc>, window_params = [{transform_indices = @transform_0, window_bounds = array<i64: 50, 1, 512>}, {transform_indices = @transform_1, window_bounds = array<i64: 50, 1, 512>}, {transform_indices = @transform_2, window_bounds = array<i64: 50, 1, 2048>}, {transform_indices = @transform_3, window_bounds = array<i64: 50, 1, 512>}, {transform_indices = @transform_4, window_bounds = array<i64: 50, 1, 512>}, {transform_indices = @transform_5, window_bounds = array<i64: 50, 1, 2048>}]} {
    %get3A = arith.constant 0 : index
    %get3A_0 = arith.constant 0 : index
    %get3A_1 = arith.constant 0 : index
    %get3A_2 = vector.load %arg1[%get3A, %get3A_0, %get3A_1] : memref<50x1x512xf32, #tpu.memory_space<vmem>>, vector<50x1x512xf32>
    %mul3A = arith.mulf %get3A_2, %get3A_2 : vector<50x1x512xf32>
    %reduce_sum3A = arith.constant dense<0.000000e+00> : vector<1x512xf32>
    %reduce_sum3A_3 = vector.multi_reduction <add>, %mul3A, %reduce_sum3A [0] : vector<50x1x512xf32> to vector<1x512xf32>
    %broadcast_in_dim3A = vector.shape_cast %reduce_sum3A_3 : vector<1x512xf32> to vector<1x1x512xf32>
    %sqrt3A = math.sqrt %broadcast_in_dim3A : vector<1x1x512xf32>
    %div3A = vector.broadcast %sqrt3A : vector<1x1x512xf32> to vector<50x1x512xf32>
    %div3A_4 = arith.divf %get3A_2, %div3A : vector<50x1x512xf32>
    %swap3A = arith.constant 0 : index
    %swap3A_5 = arith.constant 0 : index
    %swap3A_6 = arith.constant 0 : index
    %swap3A_7 = vector.load %arg4[%swap3A, %swap3A_5, %swap3A_6] : memref<50x1x512xf32, #tpu.memory_space<vmem>>, vector<50x1x512xf32>
    tpu.vector_store %arg4[%swap3A, %swap3A_5, %swap3A_6], %div3A_4 {strides = array<i32>} : memref<50x1x512xf32, #tpu.memory_space<vmem>>, vector<50x1x512xf32>,
    %get3A_8 = arith.constant 0 : index
    %get3A_9 = arith.constant 0 : index
    %get3A_10 = arith.constant 0 : index
    %get3A_11 = vector.load %arg2[%get3A_8, %get3A_9, %get3A_10] : memref<50x1x512xf32, #tpu.memory_space<vmem>>, vector<50x1x512xf32>
    %mul3A_12 = arith.mulf %get3A_11, %get3A_11 : vector<50x1x512xf32>
    %reduce_sum3A_13 = arith.constant dense<0.000000e+00> : vector<1x512xf32>
    %reduce_sum3A_14 = vector.multi_reduction <add>, %mul3A_12, %reduce_sum3A_13 [0] : vector<50x1x512xf32> to vector<1x512xf32>
    %broadcast_in_dim3A_15 = vector.shape_cast %reduce_sum3A_14 : vector<1x512xf32> to vector<1x1x512xf32>
    %sqrt3A_16 = math.sqrt %broadcast_in_dim3A_15 : vector<1x1x512xf32>
    %div3A_17 = vector.broadcast %sqrt3A_16 : vector<1x1x512xf32> to vector<50x1x512xf32>
    %div3A_18 = arith.divf %get3A_11, %div3A_17 : vector<50x1x512xf32>
    %swap3A_19 = arith.constant 0 : index
    %swap3A_20 = arith.constant 0 : index
    %swap3A_21 = arith.constant 0 : index
    %swap3A_22 = vector.load %arg5[%swap3A_19, %swap3A_20, %swap3A_21] : memref<50x1x512xf32, #tpu.memory_space<vmem>>, vector<50x1x512xf32>
    tpu.vector_store %arg5[%swap3A_19, %swap3A_20, %swap3A_21], %div3A_18 {strides = array<i32>} : memref<50x1x512xf32, #tpu.memory_space<vmem>>, vector<50x1x512xf32>,
    %get3A_23 = arith.constant 0 : index
    %get3A_24 = arith.constant 0 : index
    %get3A_25 = arith.constant 0 : index
    %get3A_26 = vector.load %arg3[%get3A_23, %get3A_24, %get3A_25] : memref<50x1x2048xf32, #tpu.memory_space<vmem>>, vector<50x1x2048xf32>
    %mul3A_27 = arith.mulf %get3A_26, %get3A_26 : vector<50x1x2048xf32>
    %reduce_sum3A_28 = arith.constant dense<0.000000e+00> : vector<1x2048xf32>
    %reduce_sum3A_29 = vector.multi_reduction <add>, %mul3A_27, %reduce_sum3A_28 [0] : vector<50x1x2048xf32> to vector<1x2048xf32>
    %broadcast_in_dim3A_30 = vector.shape_cast %reduce_sum3A_29 : vector<1x2048xf32> to vector<1x1x2048xf32>
    %sqrt3A_31 = math.sqrt %broadcast_in_dim3A_30 : vector<1x1x2048xf32>
    %div3A_32 = vector.broadcast %sqrt3A_31 : vector<1x1x2048xf32> to vector<50x1x2048xf32>
    %div3A_33 = arith.divf %get3A_26, %div3A_32 : vector<50x1x2048xf32>
    %swap3A_34 = arith.constant 0 : index
    %swap3A_35 = arith.constant 0 : index
    %swap3A_36 = arith.constant 0 : index
    %swap3A_37 = vector.load %arg6[%swap3A_34, %swap3A_35, %swap3A_36] : memref<50x1x2048xf32, #tpu.memory_space<vmem>>, vector<50x1x2048xf32>
    tpu.vector_store %arg6[%swap3A_34, %swap3A_35, %swap3A_36], %div3A_33 {strides = array<i32>} : memref<50x1x2048xf32, #tpu.memory_space<vmem>>, vector<50x1x2048xf32>,
    return
  }
  func.func @transform_0(%arg0: i32) -> (i32, i32, i32) {
    %c0_i32 = arith.constant 0 : i32
    %c0_i32_0 = arith.constant 0 : i32
    %c0_i32_1 = arith.constant 0 : i32
    return %c0_i32, %c0_i32_0, %arg0 : i32, i32, i32
  }
  func.func @transform_1(%arg0: i32) -> (i32, i32, i32) {
    %c0_i32 = arith.constant 0 : i32
    %c0_i32_0 = arith.constant 0 : i32
    %c0_i32_1 = arith.constant 0 : i32
    return %c0_i32, %c0_i32_0, %arg0 : i32, i32, i32
  }
  func.func @transform_2(%arg0: i32) -> (i32, i32, i32) {
    %c0_i32 = arith.constant 0 : i32
    %c0_i32_0 = arith.constant 0 : i32
    %c0_i32_1 = arith.constant 0 : i32
    return %c0_i32, %c0_i32_0, %arg0 : i32, i32, i32
  }
  func.func @transform_3(%arg0: i32) -> (i32, i32, i32) {
    %c0_i32 = arith.constant 0 : i32
    %c0_i32_0 = arith.constant 0 : i32
    %c0_i32_1 = arith.constant 0 : i32
    return %c0_i32, %c0_i32_0, %arg0 : i32, i32, i32
  }
  func.func @transform_4(%arg0: i32) -> (i32, i32, i32) {
    %c0_i32 = arith.constant 0 : i32
    %c0_i32_0 = arith.constant 0 : i32
    %c0_i32_1 = arith.constant 0 : i32
    return %c0_i32, %c0_i32_0, %arg0 : i32, i32, i32
  }
  func.func @transform_5(%arg0: i32) -> (i32, i32, i32) {
    %c0_i32 = arith.constant 0 : i32
    %c0_i32_0 = arith.constant 0 : i32
    %c0_i32_1 = arith.constant 0 : i32
    return %c0_i32, %c0_i32_0, %arg0 : i32, i32, i32
  }
}

module attributes {stable_mosaic.version = 14 : i64} {
  func.func @_row_mean_body(%arg0: i32, %arg1: memref<32x65536xf32, #tpu.memory_space<vmem>>, %arg2: memref<65536xf32, #tpu.memory_space<vmem>>) attributes {dimension_semantics = [#tpu.dimension_semantics<arbitrary>], iteration_bounds = array<i64: 16>, scalar_prefetch = 0 : i64, scratch_operands = 0 : i64, tpu.core_type = #tpu.core_type<tc>, window_params = [{transform_indices = @transform_0, window_bounds = array<i64: 32, 65536>}, {transform_indices = @transform_1, window_bounds = array<i64: 65536>}]} {
    %get3A = arith.constant 0 : index
    %get3A_0 = arith.constant 0 : index
    %get3A_1 = vector.load %arg1[%get3A, %get3A_0] : memref<32x65536xf32, #tpu.memory_space<vmem>>, vector<32x65536xf32>
    %reduce_sum3A = arith.constant dense<0.000000e+00> : vector<65536xf32>
    %reduce_sum3A_2 = vector.multi_reduction <add>, %get3A_1, %reduce_sum3A [0] : vector<32x65536xf32> to vector<65536xf32>
    %mul3A = arith.constant 3.125000e-02 : f32
    %mul3A_3 = vector.broadcast %mul3A : f32 to vector<65536xf32>
    %mul3A_4 = arith.mulf %reduce_sum3A_2, %mul3A_3 : vector<65536xf32>
    %swap3A = arith.constant 0 : index
    %swap3A_5 = vector.load %arg2[%swap3A] : memref<65536xf32, #tpu.memory_space<vmem>>, vector<65536xf32>
    tpu.vector_store %arg2[%swap3A], %mul3A_4 {strides = array<i32>} : memref<65536xf32, #tpu.memory_space<vmem>>, vector<65536xf32>,
    return
  }
  func.func @transform_0(%arg0: i32) -> (i32, i32) {
    %c0_i32 = arith.constant 0 : i32
    %c0_i32_0 = arith.constant 0 : i32
    return %c0_i32, %arg0 : i32, i32
  }
  func.func @transform_1(%arg0: i32) -> i32 {
    %c0_i32 = arith.constant 0 : i32
    return %arg0 : i32
  }
}

</mosaic_0001>

<sc_bundles>
// kernel: kernel.5.cloned.1.call-start
scs
__scs_entry_jumppad:
0x0: {  	(pc) =	sbr.rel $0x88, $3  }
0x1: {  	(tag) =	ssettag $0x0;
	lr =	simm.s32 $0x1  }
0x2: {  	[smem:$0x3F9D] =	sst lr;
	_ =	strace $0xD0000000  }
0x3: {  	_ = 	snop  }
0x4: {  	_ = 	snop  }
0x5: {  	_ = 	snop  }
0x6: {  	_ = 	snop  }
0x7: {  	_ = 	snop  }
__scs_overlays_trampoline_lowered:
0x8: {  	[smem:$0x3FAC] =	sst s0  }
0x9: {  	[smem:$0x3FAD] =	sst s1  }
0xa: {  	[smem:$0x3FAE] =	sst s2  }
0xb: {  	[smem:$0x3FAF] =	sst s3  }
0xc: {  	[smem:$0x3FB0] =	sst s4  }
0xd: {  	[smem:$0x3FB1] =	sst s5  }
0xe: {  	[smem:$0x3FB2] =	sst s6  }
0xf: {  	[smem:$0x3FB3] =	sst s7  }
0x10: {  	[smem:$0x3FB4] =	sst s8  }
0x11: {  	[smem:$0x3FB5] =	sst s9;
	s0 =	simm.s32 @!p0 $0x0  }
0x12: {  	s1 =	sld [smem:$0x3F9B];
	s0 =	simm.s32 @p0 $0x1  }
0x13: {  	[smem:$0x3FB6] =	sst s0;
	s0 =	simm.s32 @!p1 $0x0  }
0x14: {  	s2 =	sld [smem:$0x3F9A];
	s0 =	simm.s32 @p1 $0x1  }
0x15: {  	[smem:$0x3FB7] =	sst s0;
	s0 =	simm.s32 @!p2 $0x0  }
0x16: {  	s3 =	sld [smem:$0x3FDB];
	s0 =	simm.s32 @p2 $0x1  }
0x17: {  	s4 =	simm.s32 $0x1BF5;
	[smem:$0x3FB9] =	sst s0  }
0x18: {  	s0 =	sld [smem:$0x3F9C];
	_ =	swait.ge [sflag:s4], $0x0  }
0x19: {  	s7 =	sld [smem:$0x3F9D]  }
0x1a: {  	s8 =	sadd.s32 $0xFFFFE003, lr  }
0x1b: {  	s9 =	sadd.s32 $0xFFFFFEF7, lr;
	s5 =	simm.s32 $0xFFFFFFFF;
	p2 =	slt.u32 s8, $0xFFFFF086  }
0x1c: {  	p1 =	slt.u32 s9, $0xF7A;
	s5 =	simm.s32 @!p2 $0x0  }
0x1d: {  	s5 =	simm.s32 @p1 $0x1;
	p0 =	seq.s32 s7, s2  }
0x1e: {  	s7 =	smul.u32 @!p0 $0xF7A, s2;
	p2 =	seq.s32 @!p0 s5, $0x0  }
0x1f: {  	s9 =	smul.u32 $0xF7A, s1;
	s8 =	simm.s32 @!p0 $0x1BF5;
	p2 =	por !p2, p0  }
0x20: {  	[sflag:s8] =	ssyncset.s32 @!p0 $0xFFFFF086;
	s6 =	sadd.s32 @!p0 s3, s7;
	s7 =	simm.s32 @!p0 $0x108  }
0x21: {  	s3 =	sadd.s32 s3, s9;
	s6 =	sadd.s32 @!p0 $0x88, s6;
	s7 =	simm.s32 @p2 $0x1082  }
0x22: {  	[simem:s7], [sflag:s8] =	dma.local @!p0 [hbm:s6], $0xF7A  }
0x23: {  	s9 =	sor.u32 $0xD0000000, s2;
	s6 =	simm.s32 $0x108;
	_ =	swait.ge @!p0 [sflag:s8], $0x0  }
0x24: {  	s3 =	sadd.s32 $0x88, s3;
	s6 =	simm.s32 @!p1 $0x1082;
	[sflag:s4] =	ssyncset.s32 $0xFFFFF086  }
0x25: {  	[simem:s6], [sflag:s4] =	dma.local [hbm:s3], $0xF7A  }
0x26: {  	[smem:$0x3F9D] =	sst s1;
	(tag) =	ssettag s2;
	_ =	strace s9  }
0x27: {  	s1 =	sld [smem:$0x3FAD]  }
0x28: {  	s2 =	sld [smem:$0x3FAE]  }
0x29: {  	s4 =	sld [smem:$0x3FB0]  }
0x2a: {  	p0 =	seq.s32 s5, $0x0;
	s5 =	sld [smem:$0x3FB1]  }
0x2b: {  	s6 =	sld [smem:$0x3FB2]  }
0x2c: {  	s7 =	sld [smem:$0x3FB3]  }
0x2d: {  	s3 =	simm.s32 $0x108;
	s8 =	sld [smem:$0x3FB4]  }
0x2e: {  	s3 =	simm.s32 @!p0 $0x1082;
	s9 =	sld [smem:$0x3FB5]  }
0x2f: {  	lr =	sadd.s32 s0, s3;
	s0 =	sld [smem:$0x3FAC]  }
0x30: {  	s3 =	sld [smem:$0x3FAF]  }
0x31: {  	[smem:$0x3FB8] =	sst s10  }
0x32: {  	s10 =	sld [smem:$0x3FB6];
	_ =	sdelay $0x3  }
0x33: {  	p0 =	seq.s32 s10, $0x1;
	s10 =	sld [smem:$0x3FB8];
	_ =	sdelay $0x3  }
0x34: {  	[smem:$0x3FB8] =	sst s10  }
0x35: {  	s10 =	sld [smem:$0x3FB7];
	_ =	sdelay $0x3  }
0x36: {  	p1 =	seq.s32 s10, $0x1;
	s10 =	sld [smem:$0x3FB8];
	_ =	sdelay $0x3  }
0x37: {  	[smem:$0x3FB8] =	sst s10  }
0x38: {  	s10 =	sld [smem:$0x3FB9]  }
0x39: {  	_ = 	snop;
	(pc) =	sbr.ind lr, $3  }
0x3a: {  	_ = 	snop  }
0x3b: {  	_ = 	snop  }
0x3c: {  	p2 =	seq.s32 s10, $0x1;
	s10 =	sld [smem:$0x3FB8]  }
0x3d: {  	_ =	shalt  }
0x3e: {  	_ =	shalt  }
0x3f: {  	_ =	shalt  }
0x40: {  	_ =	shalt  }
0x41: {  	_ =	shalt  }
0x42: {  	_ =	shalt  }
0x43: {  	_ =	shalt  }
0x44: {  	_ =	shalt  }
0x45: {  	_ =	shalt  }
0x46: {  	_ =	shalt  }
0x47: {  	_ =	shalt  }
0x48: {  	_ =	shalt  }
0x49: {  	_ =	shalt  }
0x4a: {  	_ =	shalt  }
0x4b: {  	_ =	shalt  }
0x4c: {  	_ =	shalt  }
0x4d: {  	_ =	shalt  }
0x4e: {  	_ =	shalt  }
0x4f: {  	_ =	shalt  }
0x50: {  	_ =	shalt  }
0x51: {  	_ =	shalt  }
0x52: {  	_ =	shalt  }
0x53: {  	_ =	shalt  }
0x54: {  	_ =	shalt  }
0x55: {  	_ =	shalt  }
0x56: {  	_ =	shalt  }
0x57: {  	_ =	shalt  }
0x58: {  	_ =	shalt  }
0x59: {  	_ =	shalt  }
0x5a: {  	_ =	shalt  }
0x5b: {  	_ =	shalt  }
0x5c: {  	_ =	shalt  }
0x5d: {  	_ =	shalt  }
0x5e: {  	_ =	shalt  }
0x5f: {  	_ =	shalt  }
0x60: {  	_ =	shalt  }
0x61: {  	_ =	shalt  }
0x62: {  	_ =	shalt  }
0x63: {  	_ =	shalt  }
0x64: {  	_ =	shalt  }
0x65: {  	_ =	shalt  }
0x66: {  	_ =	shalt  }
0x67: {  	_ =	shalt  }
0x68: {  	_ =	shalt  }
0x69: {  	_ =	shalt  }
0x6a: {  	_ =	shalt  }
0x6b: {  	_ =	shalt  }
0x6c: {  	_ =	shalt  }
0x6d: {  	_ =	shalt  }
0x6e: {  	_ =	shalt  }
0x6f: {  	_ =	shalt  }
0x70: {  	_ =	shalt  }
0x71: {  	_ =	shalt  }
0x72: {  	_ =	shalt  }
0x73: {  	_ =	shalt  }
0x74: {  	_ =	shalt  }
0x75: {  	_ =	shalt  }
0x76: {  	_ =	shalt  }
0x77: {  	_ =	shalt  }
0x78: {  	_ =	shalt  }
0x79: {  	_ =	shalt  }
0x7a: {  	_ =	shalt  }
0x7b: {  	_ =	shalt  }
0x7c: {  	_ =	shalt  }
0x7d: {  	_ =	shalt  }
0x7e: {  	_ =	shalt  }
0x7f: {  	_ =	shalt  }
0x80: {  	_ =	shalt  }
0x81: {  	_ =	shalt  }
0x82: {  	_ =	shalt  }
0x83: {  	_ =	shalt  }
0x84: {  	_ =	shalt  }
0x85: {  	_ =	shalt  }
0x86: {  	_ =	shalt  }
0x87: {  	_ =	shalt  }
.Lfunc_end0:
.L_simem_size_0:
called_computation_lowered:
.L_overlay_start_0:
0x88: {  	s2 =	sld [smem:$0x3FD9]  }
0x89: {  	s3 =	sld [smem:$0x3FFE];
	_ =	sdelay $0x1  }
0x8a: {  	s1 =	srdreg.scid  }
0x8b: {  	s0 =	sand.u32 $0x1, s1  }
0x8c: {  	s14 =	sshll.u32 s0, $0xA;
	s2 =	sadd.s32 s3, s2  }
0x8d: {  	s2 =	sadd.s32 s2, s14  }
0x8e: {  	[smem:$0x3FC4] =	sst s2  }
0x8f: {  	_ = 	snop  }
0x90: {  	s2 =	sld [smem:$0x3FD0];
	_ =	sdelay $0x2  }
0x91: {  	s4 =	simm.s32 $0xA;
	s5 =	simm.s32 $0x10;
	s15 =	sld [smem:$0x3FC7]  }
0x92: {  	[smem:s5], [sflag:s4] =	dma.local [hbm:s2], $0x1  }
0x93: {  	_ =	swait.eq [sflag:s4], $0x1  }
0x94: {  	s16 =	sld [smem:$0x10];
	[sflag:s4] =	ssyncset.done $0x0  }
0x95: {  	s17 =	sld [smem:$0x11];
	[sflag:s4] =	ssyncadd.s32 $0xFFFFFFFF  }
0x96: {  	s18 =	sld [smem:$0x12];
	(tm) =	ssettm $0x1  }
0x97: {  	s6 =	sld [smem:$0x3FFB];
	_ =	sdelay $0x3  }
0x98: {  	_ =	strace s6  }
0x99: {  	s6 =	sld [smem:$0x3FFC];
	_ =	sdelay $0x3  }
0x9a: {  	_ =	strace s6  }
0x9b: {  	s6 =	sld [smem:$0x3FFD];
	_ =	sdelay $0x3  }
0x9c: {  	_ =	strace s6  }
0x9d: {  	_ =	strace $0x8FFFFFFF  }
0x9e: {  	s19 =	sld [smem:$0x3FDB];
	_ =	sdelay $0x1  }
0x9f: {  	s7 =	simm.s32 $_scs_section_size  }
0xa0: {  	s8 =	simm.s32 $_size__tile_overlayer_lowered;
	s9 =	simm.s32 $_tile_overlayer_lowered  }
0xa1: {  	s22 =	simm.s32 $0x1BFF;
	s21 =	sshll.u32 s9, $0x1;
	s6 =	sadd.s32 s7, s19  }
0xa2: {  	s10 =	simm.s32 $0x0;
	s20 =	sshll.u32 s8, $0x1;
	s8 =	sadd.s32 s21, s6  }
0xa3: {  	[timem:s10], [sflag:s22] =	dma.local [hbm:s8], s20  }
0xa4: {  	_ =	swait.ge [sflag:s22], s20  }
0xa5: {  	s7 =	ssub.s32 $0x0, s20;
	[sflag:s22] =	ssyncset.done $0x0  }
0xa6: {  	[sflag:s22] =	ssyncadd.s32 s7;
	_ =	sdelay $0x1  }
0xa7: {  	s23 =	simm.s32 $0x1B8B  }
0xa8: {  	_ =	swait.ge [sflag:s23], $0x1  }
0xa9: {  	[sflag:s23] =	ssyncset.done $0x0  }
0xaa: {  	s25 =	simm.s32 $0x1B8E;
	s24 =	sld [smem:$0x3FFE];
	[sflag:s23] =	ssyncadd.s32 $0xFFFFFFFF  }
0xab: {  	s26 =	simm.s32 $execute0_lowered;
	[smem:$0x3FD2] =	sst s25  }
0xac: {  	s8 =	sshll.u32 s26, $0x1;
	_ =	strace $0x80000046;
	[dreg:$0x1] =	wrdreg $0xFFFFFFFF  }
0xad: {  	s28 =	simm.s32 $_size_execute0_lowered;
	s6 =	sadd.s32 s6, s8;
	[dreg:$0x0] =	wrdreg $0x0  }
0xae: {  	s8 =	sshll.u32 s28, $0x1;
	[dreg:$0x2] =	wrdreg s6  }
0xaf: {  	[dreg:$0x3] =	wrdreg s8  }
0xb0: {  	[dreg:$0x4] =	wrdreg $0xC0  }
0xb1: {  	_ =	task [dreg:s10], $0x5FFFF  }
0xb2: {  	[dreg:$0x1] =	wrdreg $0xFFFFFFFF  }
0xb3: {  	[dreg:$0x0] =	wrdreg $0x60  }
0xb4: {  	[dreg:$0x2] =	wrdreg s24  }
0xb5: {  	[dreg:$0x3] =	wrdreg s17  }
0xb6: {  	[dreg:$0x4] =	wrdreg s16  }
0xb7: {  	[dreg:$0x5] =	wrdreg s15  }
0xb8: {  	[dreg:$0x6] =	wrdreg s18  }
0xb9: {  	[dreg:$0x7] =	wrdreg $0x9  }
0xba: {  	_ =	task.clear_ibuf [dreg:s10], $0x8FFFF;
	_ =	strace $0x90000046  }
0xbb: {  	s29 =	simm.s32 $0x9;
	_ =	strace $0x80000048  }
0xbc: {  	_ =	swait.ge [sflag:s29], $0x1  }
0xbd: {  	[sflag:s29] =	ssyncadd.s32 $0xFFFFFFFF  }
0xbe: {  	_ =	strace $0x90000048  }
0xbf: {  	_ =	sfence  }
0xc0: {  	s30 =	sld [smem:$0x0];
	_ =	sdelay $0x2  }
0xc1: {  	s31 =	sshll.u32 s1, $0xD;
	s1 =	sshrl.u32 s1, $0x2  }
0xc2: {  	s3 =	sand.u32 $0x4000, s31;
	s1 =	sadd.s32 s1, s30  }
0xc3: {  	s0 =	sor.u32 s3, s0;
	s1 =	sshll.u32 s1, $0x11  }
0xc4: {  	s0 =	sor.u32 s1, s0  }
0xc5: {  	s0 =	sadd.s32 $0x8F2B, s0  }
0xc6: {  	[sflag:s0] =	ssyncadd.remote.s32 $0x1  }
0xc7: {  	_ =	sfence.sel $0xFFFF  }
0xc8: {  	[dreg:$0x0] =	wrdreg $0xFFFFFFFF;
	(pc) =	sbr.abs _section_cstart, $3  }
0xc9: {  	[dreg:$0x1] =	wrdreg $0xFFFFFFFF  }
0xca: {  	_ =	task.clear_ibuf [dreg:s10], $0x2FFFF;
	_ =	strace $0x9FFFFFFF  }
0xcb: {  	(tm) =	ssettm $0x7FFFFFFF  }
tec
execute0_lowered:
.L_overlay_start_1:
0x0: {  	(tag) =	ssettag $0x1  }
0x1: {  	s12 =	rddreg [dreg:$0x0]  }
0x2: {  	s3 =	rddreg [dreg:$0x1]  }
0x3: {  	s5 =	rddreg [dreg:$0x2]  }
0x4: {  	s1 =	srdreg.scid;
	s0 =	stileid.u32  }
0x5: {  	s7 =	rddreg [dreg:$0x3];
	s13 =	sand.u32 $0x1, s1;
	s31 =	sshll.u32 s0, $0x1  }
0x6: {  	s15 =	rddreg [dreg:$0x4];
	s8 =	sor.u32 s13, s31  }
0x7: {  	s2 =	simm.s32 $0x0;
	s1 =	rddreg [dreg:$0x5];
	s14 =	smul.u32 $0x320, s8  }
0x8: {  	[smem:$0x7FF] =	sst s2  }
0x9: {  	_ =	strace $0x80000047;
	s4 =	sadd.s32 s3, s14;
	s3 =	simm.s32 $0x2  }
0xa: {  	[tilespmem:s2], [sflag:$0x2] =	stream.linear.gather [hbm4b:s4+s2], $0x1900, $0x38;
	[tilespmem:$0x12C00] =	vst v63  }
0xb: {  	_ =	swait.ge [sflag:s3], $0x1900  }
0xc: {  	[sflag:s3] =	ssyncset.done $0x0  }
0xd: {  	s6 =	simm.s32 $0x1900;
	s5 =	sadd.s32 s5, s14;
	[sflag:s3] =	ssyncadd.s32 $0xFFFFE700  }
0xe: {  	[tilespmem:s6], [sflag:$0x2] =	stream.linear.gather [hbm4b:s5+s2], $0x1900, $0x38;
	[tilespmem:$0x12C00] =	vst v63  }
0xf: {  	s16 =	smul.u32 $0xC80, s8;
	_ =	swait.ge [sflag:s3], $0x1900  }
0x10: {  	[sflag:s3] =	ssyncset.done $0x0  }
0x11: {  	s8 =	simm.s32 $0x3200;
	s7 =	sadd.s32 s7, s16;
	[sflag:s3] =	ssyncadd.s32 $0xFFFFE700  }
0x12: {  	[tilespmem:s8], [sflag:$0x2] =	stream.linear.gather [hbm4b:s7+s2], $0x6400, $0x38;
	[tilespmem:$0x12C00] =	vst v63  }
0x13: {  	_ =	swait.ge [sflag:s3], $0x6400  }
0x14: {  	s10 =	simm.s32 $0x9600;
	[sflag:s3] =	ssyncset.done $0x0  }
0x15: {  	s11 =	simm.s32 $0x1;
	s9 =	sadd.s32 $0x1200, s12;
	[sflag:s3] =	ssyncadd.s32 $0xFFFF9C00  }
0x16: {  	[tilespmem:s10], [sflag:$0x1] =	stream.indirect.gather [hbm4b:s9+s10], $0x1, s2, s10, $0xb8;
	[tilespmem:$0x12C00] =	vst v63  }
0x17: {  	_ =	swait.ge [sflag:s11], $0x9600  }
0x18: {  	s17 =	ssub.s32 $0x2, s13;
	s14 =	sadd.s32 s14, s12;
	[sflag:s11] =	ssyncset.done $0x0  }
0x19: {  	s18 =	sshrl.u32 s17, $0x1;
	s12 =	sadd.s32 $0x21200, s14;
	[sflag:s11] =	ssyncadd.s32 $0xFFFF6A00  }
0x1a: {  	[hbm4b:s12+s2] =	stream.linear.scatter [tilespmem:s10], [sflag:$0x2], $0x1900, $0x38;
	[tilespmem:$0x12C00] =	vst v63  }
0x1b: {  	s17 =	ssub.s32 s17, s18;
	_ =	swait.ge [sflag:s3], $0x1900  }
0x1c: {  	s17 =	smax.u32 s17, $0x1;
	[sflag:s3] =	ssyncset.done $0x0  }
0x1d: {  	s13 =	sadd.s32 $0x27600, s14;
	s14 =	simm.s32 $0xAF00;
	[sflag:s3] =	ssyncadd.s32 $0xFFFFE700  }
0x1e: {  	[hbm4b:s13+s2] =	stream.linear.scatter [tilespmem:s14], [sflag:$0x2], $0x1900, $0x38;
	[tilespmem:$0x12C00] =	vst v63  }
0x1f: {  	p0 =	sne.s32 s17, $0x1;
	_ =	swait.ge [sflag:s3], $0x1900  }
.Ltmp0:
0x20: {  	[sflag:s3] =	ssyncset.done $0x0;
	(pc) =	sbr.rel @!p0 .LBB2_2-.Ltmp0, $4  }
0x21: {  	s15 =	sadd.s32 s15, s16;
	s16 =	simm.s32 $0xC800;
	[sflag:s3] =	ssyncadd.s32 $0xFFFFE700  }
0x22: {  	[hbm4b:s15+s2] =	stream.linear.scatter [tilespmem:s16], [sflag:$0x2], $0x6400, $0x38;
	[tilespmem:$0x12C00] =	vst v63  }
0x23: {  	_ =	swait.ge [sflag:s3], $0x6400  }
0x24: {  	s17 =	sadd.s32 $0xFFFFFFFF, s17;
	[sflag:s3] =	ssyncset.done $0x0  }
.LBB2_1:
0x25: {  	p0 =	sne.s32 s17, $0x1;
	s17 =	sadd.s32 $0xFFFFFFFF, s17;
	[sflag:s3] =	ssyncadd.s32 $0xFFFF9C00  }
0x26: {  	[tilespmem:s2], [sflag:$0x2] =	stream.linear.gather [hbm4b:s4+s2], $0x1900, $0x38;
	[tilespmem:$0x12C00] =	vst v63  }
0x27: {  	_ =	swait.ge [sflag:s3], $0x1900  }
0x28: {  	[sflag:s3] =	ssyncset.done $0x0  }
0x29: {  	[sflag:s3] =	ssyncadd.s32 $0xFFFFE700  }
0x2a: {  	[tilespmem:s6], [sflag:$0x2] =	stream.linear.gather [hbm4b:s5+s2], $0x1900, $0x38;
	[tilespmem:$0x12C00] =	vst v63  }
0x2b: {  	_ =	swait.ge [sflag:s3], $0x1900  }
0x2c: {  	[sflag:s3] =	ssyncset.done $0x0  }
0x2d: {  	[sflag:s3] =	ssyncadd.s32 $0xFFFFE700  }
0x2e: {  	[tilespmem:s8], [sflag:$0x2] =	stream.linear.gather [hbm4b:s7+s2], $0x6400, $0x38;
	[tilespmem:$0x12C00] =	vst v63  }
0x2f: {  	_ =	swait.ge [sflag:s3], $0x6400  }
0x30: {  	[sflag:s3] =	ssyncset.done $0x0  }
0x31: {  	[sflag:s3] =	ssyncadd.s32 $0xFFFF9C00  }
0x32: {  	[tilespmem:s10], [sflag:$0x1] =	stream.indirect.gather [hbm4b:s9+s10], $0x1, s2, s10, $0xb8;
	[tilespmem:$0x12C00] =	vst v63  }
0x33: {  	_ =	swait.ge [sflag:s11], $0x9600  }
0x34: {  	[sflag:s11] =	ssyncset.done $0x0  }
0x35: {  	[sflag:s11] =	ssyncadd.s32 $0xFFFF6A00  }
0x36: {  	[hbm4b:s12+s2] =	stream.linear.scatter [tilespmem:s10], [sflag:$0x2], $0x1900, $0x38;
	[tilespmem:$0x12C00] =	vst v63  }
0x37: {  	_ =	swait.ge [sflag:s3], $0x1900  }
0x38: {  	[sflag:s3] =	ssyncset.done $0x0  }
0x39: {  	[sflag:s3] =	ssyncadd.s32 $0xFFFFE700  }
0x3a: {  	[hbm4b:s13+s2] =	stream.linear.scatter [tilespmem:s14], [sflag:$0x2], $0x1900, $0x38;
	[tilespmem:$0x12C00] =	vst v63  }
0x3b: {  	_ =	swait.ge [sflag:s3], $0x1900  }
.Ltmp1:
0x3c: {  	[sflag:s3] =	ssyncset.done $0x0;
	(pc) =	sbr.rel @p0 .LBB2_1-.Ltmp1, $4  }
0x3d: {  	[sflag:s3] =	ssyncadd.s32 $0xFFFFE700  }
0x3e: {  	[hbm4b:s15+s2] =	stream.linear.scatter [tilespmem:s16], [sflag:$0x2], $0x6400, $0x38;
	[tilespmem:$0x12C00] =	vst v63  }
0x3f: {  	_ =	swait.ge [sflag:s3], $0x6400  }
0x40: {  	[sflag:s3] =	ssyncset.done $0x0  }
.LBB2_2:
0x41: {  	[sflag:s3] =	ssyncadd.s32 $0xFFFF9C00  }
0x42: {  	_ =	sfence.sel $0x180000  }
0x43: {  	[bflag:$0x0] =	sbarrier.arrive $0xFFFF  }
0x44: {  	p0 =	sne.s32 s0, $0x0;
	_ =	strace $0x90000047  }
0x45: {  	s0 =	sadd.s32 @!p0 $0x100000, s1;
	[bflag:$0x2] =	sbarrier.arrive $0xFFFF  }
0x46: {  	[sflag:s0] =	ssyncadd.tile.s32 @!p0 $0x1;
	_ =	shalt  }
.Lfunc_end2:
_tile_overlayer_lowered:
.L_overlay_start_2:
0x47: {  	(tag) =	ssettag $0x2  }
0x48: {  	s0 =	rddreg [dreg:$0x0];
	s2 =	stileid.u32  }
0x49: {  	s1 =	rddreg [dreg:$0x1];
	p0 =	sne.s32 s2, $0x0  }
0x4a: {  	s3 =	rddreg [dreg:$0x2];
	[bflag:$0x3] =	sbarrier.arrive $0xFFFF;
	s2 =	simm.s32 @!p0 $0x1C02  }
0x4b: {  	[timem:s3], [sflag:s2] =	dma.local @!p0 [hbm:s0], s1  }
0x4c: {  	s0 =	simm.s32 @!p0 $0x2  }
0x4d: {  	_ =	swait.ge @!p0 [sflag:s0], s1  }
0x4e: {  	s1 =	ssub.s32 @!p0 $0x0, s1;
	[sflag:s0] =	ssyncset.done @!p0 $0x0  }
0x4f: {  	[sflag:s0] =	ssyncadd.s32 @!p0 s1  }
0x50: {  	[bflag:$0x3] =	sbarrier.arrive $0xFFFF  }
0x51: {  	_ =	shalt  }

</sc_bundles>
